<compile_context>
chip_gen: v7x
topology: tpu7x:2x2x1
jax: 0.10.2.dev20260603
libtpu: 0.0.44.dev20260713+nightly
codegen_flags: <defaults>
</compile_context>

<pallas_src>
import functools

import jax
import jax.numpy as jnp
from jax import lax
from jax.experimental import pallas as pl
from jax.experimental.pallas import tpu as pltpu
from jax.experimental.pallas import tpu_sc as plsc

B, L, V, R, D = 1024, 50, 100000, 5, 64
LP = 56
NT = B * LP
NW = 32
TPW = NT // NW
NPW = B // NW



def _sc_gather(hist_idx, nodes, v2e_bf, u2e_bf):
    mesh = plsc.VectorSubcoreMesh(core_axis_name="c", subcore_axis_name="s")

    @functools.partial(
        pl.kernel,
        mesh=mesh,
        compiler_params=pltpu.CompilerParams(use_tc_tiling_on_sc=False),
        out_type=[
            jax.ShapeDtypeStruct((NT, D), jnp.bfloat16),
            jax.ShapeDtypeStruct((B, D), jnp.bfloat16),
        ],
        scratch_types=[
            pltpu.VMEM((TPW,), jnp.int32),
            pltpu.VMEM((TPW, D), jnp.bfloat16),
            pltpu.VMEM((NPW,), jnp.int32),
            pltpu.VMEM((NPW, D), jnp.bfloat16),
            pltpu.SemaphoreType.DMA,
            pltpu.SemaphoreType.DMA,
        ],
    )
    def gather_kernel(v2e_hbm, u2e_hbm, hist_hbm, nodes_hbm,
                      euv_out, urep_out, idx_v, rows_v, nidx_v, nrows_v,
                      sem, nsem):
        wid = lax.axis_index("s") * 2 + lax.axis_index("c")
        base = wid * TPW
        pltpu.sync_copy(hist_hbm.at[pl.ds(base, TPW)], idx_v)
        nbase = wid * NPW
        pltpu.sync_copy(nodes_hbm.at[pl.ds(nbase, NPW)], nidx_v)
        cp = pltpu.async_copy(v2e_hbm.at[idx_v], rows_v, sem)
        ncopy = pltpu.async_copy(u2e_hbm.at[nidx_v], nrows_v, nsem)
        cp.wait()
        pltpu.sync_copy(rows_v, euv_out.at[pl.ds(base, TPW)])
        ncopy.wait()
        pltpu.sync_copy(nrows_v, urep_out.at[pl.ds(nbase, NPW)])

    return gather_kernel(v2e_bf, u2e_bf, hist_idx, nodes)



BB = 128
NTOK = BB * LP


def _dense_body(euv_ref, urep_ref, hr_ref,
                w1a_ref, cr_ref, w2_ref, b2_ref,
                a1a_ref, a1b_ref, a1bias_ref, a2_ref, a2b_ref, att3_ref,
                out_ref):
    euv = euv_ref[...].astype(jnp.float32)
    hr = hr_ref[...]
    onehot3 = (hr[:, :, None] == lax.broadcasted_iota(jnp.int32, (1, 1, 8), 2))
    onehot = onehot3.astype(jnp.float32).reshape(NTOK, 8)
    contrib = jnp.dot(onehot, cr_ref[...],
                      preferred_element_type=jnp.float32)
    x1 = jnp.maximum(jnp.dot(euv, w1a_ref[...],
                             preferred_element_type=jnp.float32) + contrib, 0.0)
    o = jnp.maximum(jnp.dot(x1, w2_ref[...],
                            preferred_element_type=jnp.float32) + b2_ref[...], 0.0)
    urep = urep_ref[...].astype(jnp.float32)
    u_att = jnp.dot(urep, a1b_ref[...],
                    preferred_element_type=jnp.float32) + a1bias_ref[...]
    u_att_tok = jnp.broadcast_to(u_att[:, None, :], (BB, LP, D)).reshape(NTOK, D)
    a1 = jnp.maximum(jnp.dot(o, a1a_ref[...],
                             preferred_element_type=jnp.float32) + u_att_tok, 0.0)
    a2 = jnp.maximum(jnp.dot(a1, a2_ref[...],
                             preferred_element_type=jnp.float32) + a2b_ref[...], 0.0)
    a2_3d = a2.reshape(BB, LP, D)
    logits = jnp.sum(a2_3d * att3_ref[...][None, :, :], axis=2)
    lmask = lax.broadcasted_iota(jnp.int32, (BB, LP), 1) < L
    logits = jnp.where(lmask, logits, -jnp.inf)
    m = jnp.max(logits, axis=1, keepdims=True)
    e = jnp.exp(logits - m)
    w = e / jnp.sum(e, axis=1, keepdims=True)
    o_3d = o.reshape(BB, LP, D)
    out_ref[...] = jnp.sum(o_3d * w[:, :, None], axis=1)


def _dense(e_uv, u_rep, hr_pad, w1a_t, c_r, w2_t, b2,
           a1a_t, a1b_t, a1bias, a2_t, a2b, att3v):
    grid = B // BB
    full = lambda shape: pl.BlockSpec(shape, lambda i: (0,) * len(shape))
    return pl.pallas_call(
        _dense_body,
        grid=(grid,),
        in_specs=[
            pl.BlockSpec((NTOK, D), lambda i: (i, 0)),
            pl.BlockSpec((BB, D), lambda i: (i, 0)),
            pl.BlockSpec((BB, LP), lambda i: (i, 0)),
            full((D, D)),
            full((8, D)),
            full((D, D)),
            full((1, D)),
            full((D, D)),
            full((D, D)),
            full((1, D)),
            full((D, D)),
            full((1, D)),
            full((1, D)),
        ],
        out_specs=pl.BlockSpec((BB, D), lambda i: (i, 0)),
        out_shape=jax.ShapeDtypeStruct((B, D), jnp.float32),
        compiler_params=pltpu.CompilerParams(
            dimension_semantics=("arbitrary",)),
    )(e_uv, u_rep, hr_pad, w1a_t, c_r, w2_t, b2,
      a1a_t, a1b_t, a1bias, a2_t, a2b, att3v)



def kernel(nodes, history_uv, history_r, v2e_w, u2e_w, r2e_w,
           w_r1_w, w_r1_b, w_r2_w, w_r2_b,
           att1_w, att1_b, att2_w, att2_b, att3_w, att3_b):
    w1a_t = w_r1_w[:, :D].T
    c_r = r2e_w @ w_r1_w[:, D:].T + w_r1_b
    c_r = jnp.pad(c_r, ((0, 8 - R), (0, 0)))
    w2_t = w_r2_w.T
    b2 = w_r2_b[None, :]
    a1a_t = att1_w[:, :D].T
    a1b_t = att1_w[:, D:].T
    a1bias = att1_b[None, :]
    a2_t = att2_w.T
    a2b = att2_b[None, :]
    att3v = att3_w

    v2e_bf = v2e_w.astype(jnp.bfloat16)
    u2e_bf = u2e_w.astype(jnp.bfloat16)

    hist_pad = jnp.pad(history_uv, ((0, 0), (0, LP - L)))
    hist_idx = hist_pad.reshape(NT)
    hr_pad = jnp.pad(history_r, ((0, 0), (0, LP - L)))

    e_uv, u_rep = _sc_gather(hist_idx, nodes, v2e_bf, u2e_bf)

    return _dense(e_uv, u_rep, hr_pad, w1a_t, c_r, w2_t, b2,
                  a1a_t, a1b_t, a1bias, a2_t, a2b, att3v)

# --- scband reference (transcript-rebuilt; emitter-appended) ---
"""Pipeline reference for scband-uv-aggregator-19112604467374 (READ-ONLY COPY).

The authoritative reference and input builder live on the scoring server;
editing this copy changes nothing except your own understanding.
"""

import jax, jax.numpy as jnp
import numpy as np

B, L, V, R, D = 1024, 50, 100000, 5, 64

def _linear_params(key, out_d, in_d):
    bound = 1.0 / np.sqrt(in_d)
    kw, kb = jax.random.split(key)
    w = jax.random.uniform(kw, (out_d, in_d), minval=-bound, maxval=bound, dtype=jnp.float32)
    b = jax.random.uniform(kb, (out_d,), minval=-bound, maxval=bound, dtype=jnp.float32)
    return w, b

def setup_inputs(seed: int = 0):
    key = jax.random.key(seed)
    ks = jax.random.split(key, 11)
    v2e_w = jax.random.normal(ks[0], (V, D), dtype=jnp.float32)
    u2e_w = jax.random.normal(ks[1], (V, D), dtype=jnp.float32)
    r2e_w = jax.random.normal(ks[2], (R, D), dtype=jnp.float32)
    w_r1_w, w_r1_b = _linear_params(ks[3], D, 2 * D)
    w_r2_w, w_r2_b = _linear_params(ks[4], D, D)
    att1_w, att1_b = _linear_params(ks[5], D, 2 * D)
    att2_w, att2_b = _linear_params(ks[6], D, D)
    att3_w, att3_b = _linear_params(ks[7], 1, D)
    nodes = jax.random.randint(ks[8], (B,), 0, V, dtype=jnp.int32)
    history_uv = jax.random.randint(ks[9], (B, L), 0, V, dtype=jnp.int32)
    history_r = jax.random.randint(ks[10], (B, L), 0, R, dtype=jnp.int32)
    return {"nodes": nodes, "history_uv": history_uv, "history_r": history_r,
            "v2e_w": v2e_w, "u2e_w": u2e_w, "r2e_w": r2e_w,
            "w_r1_w": w_r1_w, "w_r1_b": w_r1_b, "w_r2_w": w_r2_w, "w_r2_b": w_r2_b,
            "att1_w": att1_w, "att1_b": att1_b, "att2_w": att2_w, "att2_b": att2_b,
            "att3_w": att3_w, "att3_b": att3_b}

def reference(nodes, history_uv, history_r, v2e_w, u2e_w, r2e_w,
              w_r1_w, w_r1_b, w_r2_w, w_r2_b,
              att1_w, att1_b, att2_w, att2_b, att3_w, att3_b):
    # uv=True: aggregate item (v2e) neighbors into user (u2e) nodes.
    # Per-row Python loop in the torch code is vectorized over the batch dim;
    # all histories have uniform length L so the ragged lists become [B, L].
    e_uv = jnp.take(v2e_w, history_uv, axis=0)            # [B, L, D]
    uv_rep = jnp.take(u2e_w, nodes, axis=0)               # [B, D]
    e_r = jnp.take(r2e_w, history_r, axis=0)              # [B, L, D]
    x = jnp.concatenate([e_uv, e_r], axis=-1)             # [B, L, 2D]
    x = jax.nn.relu(x @ w_r1_w.T + w_r1_b)                # [B, L, D]
    o_history = jax.nn.relu(x @ w_r2_w.T + w_r2_b)        # [B, L, D]
    # Attention(embed_dim): att1(2D->D) relu, (dropout=identity in eval), att2(D->D) relu, att3(D->1), softmax over neighbors
    uv_reps = jnp.broadcast_to(uv_rep[:, None, :], o_history.shape)
    a = jnp.concatenate([o_history, uv_reps], axis=-1)    # [B, L, 2D]
    a = jax.nn.relu(a @ att1_w.T + att1_b)
    a = jax.nn.relu(a @ att2_w.T + att2_b)
    a = a @ att3_w.T + att3_b                              # [B, L, 1]
    att_w = jax.nn.softmax(a, axis=1)                      # softmax over neighbors (dim 0 per row in torch)
    to_feats = jnp.sum(o_history * att_w, axis=1)          # [B, D]  == mm(o_history.T, att).T per row
    return to_feats

if __name__ == "__main__":
    import jax
    _d = setup_inputs()
    print(jax.jit(kernel)(*tuple(_d.values())))

</pallas_src>

<mosaic_0001>
#map = affine_map<(d0, d1) -> (0, 0)>
#map1 = affine_map<(d0, d1) -> (0)>
module attributes {stable_mosaic.version = 14 : i64} {
  func.func @gather_kernel(%arg0: i32, %arg1: i32, %arg2: memref<100000x64xbf16, #tpu.memory_space<hbm>>, %arg3: memref<100000x64xbf16, #tpu.memory_space<hbm>>, %arg4: memref<57344xi32, #tpu.memory_space<hbm>>, %arg5: memref<1024xi32, #tpu.memory_space<hbm>>, %arg6: memref<57344x64xbf16, #tpu.memory_space<hbm>>, %arg7: memref<1024x64xbf16, #tpu.memory_space<hbm>>, %arg8: memref<1792xi32, #tpu.memory_space<vmem>>, %arg9: memref<1792x64xbf16, #tpu.memory_space<vmem>>, %arg10: memref<32xi32, #tpu.memory_space<vmem>>, %arg11: memref<32x64xbf16, #tpu.memory_space<vmem>>, %arg12: memref<!tpu.dma_semaphore, #tpu.memory_space<semaphore_mem>>, %arg13: memref<!tpu.dma_semaphore, #tpu.memory_space<semaphore_mem>>) attributes {dimension_semantics = [#tpu.dimension_semantics<core_parallel>, #tpu.dimension_semantics<subcore_parallel>], iteration_bounds = array<i64: 2, 16>, scalar_prefetch = 0 : i64, scratch_operands = 6 : i64, tpu.core_type = #tpu.core_type<sc_vector_subcore>, window_params = [{transform_indices = #map}, {transform_indices = #map}, {transform_indices = #map1}, {transform_indices = #map1}, {transform_indices = #map}, {transform_indices = #map}]} {
    %mul3A = arith.constant 2 : i32
    %mul3A_0 = arith.muli %arg1, %mul3A : i32
    %add3A = arith.addi %mul3A_0, %arg0 : i32
    %mul3A_1 = arith.constant 1792 : i32
    %mul3A_2 = arith.muli %add3A, %mul3A_1 : i32
    "tpu.region"() ({
      %run_scoped3A = tpu.sem_alloc : memref<!tpu.dma_semaphore, #tpu.memory_space<semaphore_mem>>
      %dma_start3A_15 = tpu.memref_slice %arg4[%mul3A_2] : memref<57344xi32, #tpu.memory_space<hbm>> -> memref<1792xi32, #tpu.memory_space<hbm>>
      %dma_start3A_16 = tpu.memref_slice %arg4[%mul3A_2] : memref<57344xi32, #tpu.memory_space<hbm>> -> memref<1792xi32, #tpu.memory_space<hbm>>
      tpu.enqueue_dma source(%dma_start3A_16 : memref<1792xi32, #tpu.memory_space<hbm>>) target(%arg8 : memref<1792xi32, #tpu.memory_space<vmem>>) target_semaphore(%run_scoped3A : memref<!tpu.dma_semaphore, #tpu.memory_space<semaphore_mem>>)
      %dma_wait3A_17 = tpu.memref_slice %arg4[%mul3A_2] : memref<57344xi32, #tpu.memory_space<hbm>> -> memref<1792xi32, #tpu.memory_space<hbm>>
      %dma_wait3A_18 = tpu.memref_slice %arg4[%mul3A_2] : memref<57344xi32, #tpu.memory_space<hbm>> -> memref<1792xi32, #tpu.memory_space<hbm>>
      tpu.wait_dma2 semaphore(%run_scoped3A : memref<!tpu.dma_semaphore, #tpu.memory_space<semaphore_mem>>) src(%dma_wait3A_18 : memref<1792xi32, #tpu.memory_space<hbm>>) dst(%arg8 : memref<1792xi32, #tpu.memory_space<vmem>>)
      tpu.yield
    }) : () -> ()
    %mul3A_3 = arith.constant 32 : i32
    %mul3A_4 = arith.muli %add3A, %mul3A_3 : i32
    "tpu.region"() ({
      %run_scoped3A = tpu.sem_alloc : memref<!tpu.dma_semaphore, #tpu.memory_space<semaphore_mem>>
      %dma_start3A_15 = tpu.memref_slice %arg5[%mul3A_4] : memref<1024xi32, #tpu.memory_space<hbm>> -> memref<32xi32, #tpu.memory_space<hbm>>
      %dma_start3A_16 = tpu.memref_slice %arg5[%mul3A_4] : memref<1024xi32, #tpu.memory_space<hbm>> -> memref<32xi32, #tpu.memory_space<hbm>>
      tpu.enqueue_dma source(%dma_start3A_16 : memref<32xi32, #tpu.memory_space<hbm>>) target(%arg10 : memref<32xi32, #tpu.memory_space<vmem>>) target_semaphore(%run_scoped3A : memref<!tpu.dma_semaphore, #tpu.memory_space<semaphore_mem>>)
      %dma_wait3A_17 = tpu.memref_slice %arg5[%mul3A_4] : memref<1024xi32, #tpu.memory_space<hbm>> -> memref<32xi32, #tpu.memory_space<hbm>>
      %dma_wait3A_18 = tpu.memref_slice %arg5[%mul3A_4] : memref<1024xi32, #tpu.memory_space<hbm>> -> memref<32xi32, #tpu.memory_space<hbm>>
      tpu.wait_dma2 semaphore(%run_scoped3A : memref<!tpu.dma_semaphore, #tpu.memory_space<semaphore_mem>>) src(%dma_wait3A_18 : memref<32xi32, #tpu.memory_space<hbm>>) dst(%arg10 : memref<32xi32, #tpu.memory_space<vmem>>)
      tpu.yield
    }) : () -> ()
    %dma_start3A = arith.constant 0 : i32
    %dma_start3A_5 = arith.constant 0 : i32
    %dma_start3A_6 = tpu.memref_slice %arg2[%dma_start3A, %dma_start3A_5] : memref<100000x64xbf16, #tpu.memory_space<hbm>> -> memref<100000x64xbf16, #tpu.memory_space<hbm>>
    tpu.enqueue_indirect_dma source(%dma_start3A_6 : memref<100000x64xbf16, #tpu.memory_space<hbm>>) target(%arg9 : memref<1792x64xbf16, #tpu.memory_space<vmem>>) offsets(%arg8 : memref<1792xi32, #tpu.memory_space<vmem>>) semaphore(%arg12 : memref<!tpu.dma_semaphore, #tpu.memory_space<semaphore_mem>>)
    %dma_start3A_7 = arith.constant 0 : i32
    %dma_start3A_8 = arith.constant 0 : i32
    %dma_start3A_9 = tpu.memref_slice %arg3[%dma_start3A_7, %dma_start3A_8] : memref<100000x64xbf16, #tpu.memory_space<hbm>> -> memref<100000x64xbf16, #tpu.memory_space<hbm>>
    tpu.enqueue_indirect_dma source(%dma_start3A_9 : memref<100000x64xbf16, #tpu.memory_space<hbm>>) target(%arg11 : memref<32x64xbf16, #tpu.memory_space<vmem>>) offsets(%arg10 : memref<32xi32, #tpu.memory_space<vmem>>) semaphore(%arg13 : memref<!tpu.dma_semaphore, #tpu.memory_space<semaphore_mem>>)
    %dma_wait3A = arith.constant 0 : i32
    %dma_wait3A_10 = arith.constant 0 : i32
    %dma_wait3A_11 = tpu.memref_slice %arg2[%dma_wait3A, %dma_wait3A_10] : memref<100000x64xbf16, #tpu.memory_space<hbm>> -> memref<100000x64xbf16, #tpu.memory_space<hbm>>
    tpu.wait_indirect_dma semaphore(%arg12 : memref<!tpu.dma_semaphore, #tpu.memory_space<semaphore_mem>>) src(%dma_wait3A_11 : memref<100000x64xbf16, #tpu.memory_space<hbm>>) dst(%arg9 : memref<1792x64xbf16, #tpu.memory_space<vmem>>)
    "tpu.region"() ({
      %run_scoped3A = tpu.sem_alloc : memref<!tpu.dma_semaphore, #tpu.memory_space<semaphore_mem>>
      %dma_start3A_15 = arith.constant 0 : i32
      %dma_start3A_16 = tpu.memref_slice %arg6[%mul3A_2, %dma_start3A_15] : memref<57344x64xbf16, #tpu.memory_space<hbm>> -> memref<1792x64xbf16, #tpu.memory_space<hbm>>
      %dma_start3A_17 = arith.constant 0 : i32
      %dma_start3A_18 = tpu.memref_slice %arg6[%mul3A_2, %dma_start3A_17] : memref<57344x64xbf16, #tpu.memory_space<hbm>> -> memref<1792x64xbf16, #tpu.memory_space<hbm>>
      tpu.enqueue_dma source(%arg9 : memref<1792x64xbf16, #tpu.memory_space<vmem>>) target(%dma_start3A_18 : memref<1792x64xbf16, #tpu.memory_space<hbm>>) target_semaphore(%run_scoped3A : memref<!tpu.dma_semaphore, #tpu.memory_space<semaphore_mem>>)
      %dma_wait3A_19 = arith.constant 0 : i32
      %dma_wait3A_20 = tpu.memref_slice %arg6[%mul3A_2, %dma_wait3A_19] : memref<57344x64xbf16, #tpu.memory_space<hbm>> -> memref<1792x64xbf16, #tpu.memory_space<hbm>>
      %dma_wait3A_21 = arith.constant 0 : i32
      %dma_wait3A_22 = tpu.memref_slice %arg6[%mul3A_2, %dma_wait3A_21] : memref<57344x64xbf16, #tpu.memory_space<hbm>> -> memref<1792x64xbf16, #tpu.memory_space<hbm>>
      tpu.wait_dma2 semaphore(%run_scoped3A : memref<!tpu.dma_semaphore, #tpu.memory_space<semaphore_mem>>) src(%arg9 : memref<1792x64xbf16, #tpu.memory_space<vmem>>) dst(%dma_wait3A_22 : memref<1792x64xbf16, #tpu.memory_space<hbm>>)
      tpu.yield
    }) : () -> ()
    %dma_wait3A_12 = arith.constant 0 : i32
    %dma_wait3A_13 = arith.constant 0 : i32
    %dma_wait3A_14 = tpu.memref_slice %arg3[%dma_wait3A_12, %dma_wait3A_13] : memref<100000x64xbf16, #tpu.memory_space<hbm>> -> memref<100000x64xbf16, #tpu.memory_space<hbm>>
    tpu.wait_indirect_dma semaphore(%arg13 : memref<!tpu.dma_semaphore, #tpu.memory_space<semaphore_mem>>) src(%dma_wait3A_14 : memref<100000x64xbf16, #tpu.memory_space<hbm>>) dst(%arg11 : memref<32x64xbf16, #tpu.memory_space<vmem>>)
    "tpu.region"() ({
      %run_scoped3A = tpu.sem_alloc : memref<!tpu.dma_semaphore, #tpu.memory_space<semaphore_mem>>
      %dma_start3A_15 = arith.constant 0 : i32
      %dma_start3A_16 = tpu.memref_slice %arg7[%mul3A_4, %dma_start3A_15] : memref<1024x64xbf16, #tpu.memory_space<hbm>> -> memref<32x64xbf16, #tpu.memory_space<hbm>>
      %dma_start3A_17 = arith.constant 0 : i32
      %dma_start3A_18 = tpu.memref_slice %arg7[%mul3A_4, %dma_start3A_17] : memref<1024x64xbf16, #tpu.memory_space<hbm>> -> memref<32x64xbf16, #tpu.memory_space<hbm>>
      tpu.enqueue_dma source(%arg11 : memref<32x64xbf16, #tpu.memory_space<vmem>>) target(%dma_start3A_18 : memref<32x64xbf16, #tpu.memory_space<hbm>>) target_semaphore(%run_scoped3A : memref<!tpu.dma_semaphore, #tpu.memory_space<semaphore_mem>>)
      %dma_wait3A_19 = arith.constant 0 : i32
      %dma_wait3A_20 = tpu.memref_slice %arg7[%mul3A_4, %dma_wait3A_19] : memref<1024x64xbf16, #tpu.memory_space<hbm>> -> memref<32x64xbf16, #tpu.memory_space<hbm>>
      %dma_wait3A_21 = arith.constant 0 : i32
      %dma_wait3A_22 = tpu.memref_slice %arg7[%mul3A_4, %dma_wait3A_21] : memref<1024x64xbf16, #tpu.memory_space<hbm>> -> memref<32x64xbf16, #tpu.memory_space<hbm>>
      tpu.wait_dma2 semaphore(%run_scoped3A : memref<!tpu.dma_semaphore, #tpu.memory_space<semaphore_mem>>) src(%arg11 : memref<32x64xbf16, #tpu.memory_space<vmem>>) dst(%dma_wait3A_22 : memref<32x64xbf16, #tpu.memory_space<hbm>>)
      tpu.yield
    }) : () -> ()
    return
  }
}

module attributes {stable_mosaic.version = 14 : i64} {
  func.func @_dense_body(%arg0: i32, %arg1: memref<7168x64xbf16, #tpu.memory_space<vmem>>, %arg2: memref<128x64xbf16, #tpu.memory_space<vmem>>, %arg3: memref<128x56xi32, #tpu.memory_space<vmem>>, %arg4: memref<64x64xf32, #tpu.memory_space<vmem>>, %arg5: memref<8x64xf32, #tpu.memory_space<vmem>>, %arg6: memref<64x64xf32, #tpu.memory_space<vmem>>, %arg7: memref<1x64xf32, #tpu.memory_space<vmem>>, %arg8: memref<64x64xf32, #tpu.memory_space<vmem>>, %arg9: memref<64x64xf32, #tpu.memory_space<vmem>>, %arg10: memref<1x64xf32, #tpu.memory_space<vmem>>, %arg11: memref<64x64xf32, #tpu.memory_space<vmem>>, %arg12: memref<1x64xf32, #tpu.memory_space<vmem>>, %arg13: memref<1x64xf32, #tpu.memory_space<vmem>>, %arg14: memref<128x64xf32, #tpu.memory_space<vmem>>) attributes {dimension_semantics = [#tpu.dimension_semantics<arbitrary>], iteration_bounds = array<i64: 8>, scalar_prefetch = 0 : i64, scratch_operands = 0 : i64, tpu.core_type = #tpu.core_type<tc>, window_params = [{transform_indices = @transform_0, window_bounds = array<i64: 7168, 64>}, {transform_indices = @transform_1, window_bounds = array<i64: 128, 64>}, {transform_indices = @transform_2, window_bounds = array<i64: 128, 56>}, {pipeline_mode = #tpu.pipeline_mode<synchronous>, transform_indices = @transform_3, window_bounds = array<i64: 64, 64>}, {pipeline_mode = #tpu.pipeline_mode<synchronous>, transform_indices = @transform_4, window_bounds = array<i64: 8, 64>}, {pipeline_mode = #tpu.pipeline_mode<synchronous>, transform_indices = @transform_5, window_bounds = array<i64: 64, 64>}, {pipeline_mode = #tpu.pipeline_mode<synchronous>, transform_indices = @transform_6, window_bounds = array<i64: 1, 64>}, {pipeline_mode = #tpu.pipeline_mode<synchronous>, transform_indices = @transform_7, window_bounds = array<i64: 64, 64>}, {pipeline_mode = #tpu.pipeline_mode<synchronous>, transform_indices = @transform_8, window_bounds = array<i64: 64, 64>}, {pipeline_mode = #tpu.pipeline_mode<synchronous>, transform_indices = @transform_9, window_bounds = array<i64: 1, 64>}, {pipeline_mode = #tpu.pipeline_mode<synchronous>, transform_indices = @transform_10, window_bounds = array<i64: 64, 64>}, {pipeline_mode = #tpu.pipeline_mode<synchronous>, transform_indices = @transform_11, window_bounds = array<i64: 1, 64>}, {pipeline_mode = #tpu.pipeline_mode<synchronous>, transform_indices = @transform_12, window_bounds = array<i64: 1, 64>}, {transform_indices = @transform_13, window_bounds = array<i64: 128, 64>}]} {
    %get3A = arith.constant 0 : index
    %get3A_0 = arith.constant 0 : index
    %get3A_1 = vector.load %arg1[%get3A, %get3A_0] : memref<7168x64xbf16, #tpu.memory_space<vmem>>, vector<7168x64xbf16>
    %convert_element_type3A = arith.extf %get3A_1 : vector<7168x64xbf16> to vector<7168x64xf32>
    %get3A_2 = arith.constant 0 : index
    %get3A_3 = arith.constant 0 : index
    %get3A_4 = vector.load %arg3[%get3A_2, %get3A_3] : memref<128x56xi32, #tpu.memory_space<vmem>>, vector<128x56xi32>
    %broadcast_in_dim3A = vector.shape_cast %get3A_4 : vector<128x56xi32> to vector<128x56x1xi32>
    %iota3A = tpu.iota {dimensions = array<i32: 2>} : vector<1x1x8xi32>
    %eq3A = vector.broadcast %broadcast_in_dim3A : vector<128x56x1xi32> to vector<128x56x8xi32>
    %eq3A_5 = vector.broadcast %iota3A : vector<1x1x8xi32> to vector<128x56x8xi32>
    %eq3A_6 = arith.cmpi eq, %eq3A, %eq3A_5 : vector<128x56x8xi32>
    %convert_element_type3A_7 = arith.extui %eq3A_6 : vector<128x56x8xi1> to vector<128x56x8xi32>
    %convert_element_type3A_8 = arith.sitofp %convert_element_type3A_7 : vector<128x56x8xi32> to vector<128x56x8xf32>
    %reshape3A = vector.shape_cast %convert_element_type3A_8 : vector<128x56x8xf32> to vector<7168x8xf32>
    %get3A_9 = arith.constant 0 : index
    %get3A_10 = arith.constant 0 : index
    %get3A_11 = vector.load %arg5[%get3A_9, %get3A_10] : memref<8x64xf32, #tpu.memory_space<vmem>>, vector<8x64xf32>
    %dot_general3A = arith.constant dense<0.000000e+00> : vector<7168x64xf32>
    %dot_general3A_12 = tpu.matmul %reshape3A, %get3A_11, %dot_general3A {dimension_numbers = #tpu.dot_dimension_numbers<[1], [0], [0], [1], [0, 0, 1, 1], [], []>, transpose_lhs_hint = false} : vector<7168x8xf32>, vector<8x64xf32>, vector<7168x64xf32> -> vector<7168x64xf32>
    %get3A_13 = arith.constant 0 : index
    %get3A_14 = arith.constant 0 : index
    %get3A_15 = vector.load %arg4[%get3A_13, %get3A_14] : memref<64x64xf32, #tpu.memory_space<vmem>>, vector<64x64xf32>
    %dot_general3A_16 = arith.constant dense<0.000000e+00> : vector<7168x64xf32>
    %dot_general3A_17 = tpu.matmul %convert_element_type3A, %get3A_15, %dot_general3A_16 {dimension_numbers = #tpu.dot_dimension_numbers<[1], [0], [0], [1], [0, 0, 1, 1], [], []>, transpose_lhs_hint = false} : vector<7168x64xf32>, vector<64x64xf32>, vector<7168x64xf32> -> vector<7168x64xf32>
    %add3A = arith.addf %dot_general3A_17, %dot_general3A_12 : vector<7168x64xf32>
    %max3A = arith.constant 0.000000e+00 : f32
    %max3A_18 = vector.broadcast %max3A : f32 to vector<7168x64xf32>
    %max3A_19 = arith.maximumf %add3A, %max3A_18 : vector<7168x64xf32>
    %get3A_20 = arith.constant 0 : index
    %get3A_21 = arith.constant 0 : index
    %get3A_22 = vector.load %arg6[%get3A_20, %get3A_21] : memref<64x64xf32, #tpu.memory_space<vmem>>, vector<64x64xf32>
    %dot_general3A_23 = arith.constant dense<0.000000e+00> : vector<7168x64xf32>
    %dot_general3A_24 = tpu.matmul %max3A_19, %get3A_22, %dot_general3A_23 {dimension_numbers = #tpu.dot_dimension_numbers<[1], [0], [0], [1], [0, 0, 1, 1], [], []>, transpose_lhs_hint = false} : vector<7168x64xf32>, vector<64x64xf32>, vector<7168x64xf32> -> vector<7168x64xf32>
    %get3A_25 = arith.constant 0 : index
    %get3A_26 = arith.constant 0 : index
    %get3A_27 = vector.load %arg7[%get3A_25, %get3A_26] : memref<1x64xf32, #tpu.memory_space<vmem>>, vector<1x64xf32>
    %add3A_28 = vector.broadcast %get3A_27 : vector<1x64xf32> to vector<7168x64xf32>
    %add3A_29 = arith.addf %dot_general3A_24, %add3A_28 : vector<7168x64xf32>
    %max3A_30 = arith.constant 0.000000e+00 : f32
    %max3A_31 = vector.broadcast %max3A_30 : f32 to vector<7168x64xf32>
    %max3A_32 = arith.maximumf %add3A_29, %max3A_31 : vector<7168x64xf32>
    %get3A_33 = arith.constant 0 : index
    %get3A_34 = arith.constant 0 : index
    %get3A_35 = vector.load %arg2[%get3A_33, %get3A_34] : memref<128x64xbf16, #tpu.memory_space<vmem>>, vector<128x64xbf16>
    %convert_element_type3A_36 = arith.extf %get3A_35 : vector<128x64xbf16> to vector<128x64xf32>
    %get3A_37 = arith.constant 0 : index
    %get3A_38 = arith.constant 0 : index
    %get3A_39 = vector.load %arg9[%get3A_37, %get3A_38] : memref<64x64xf32, #tpu.memory_space<vmem>>, vector<64x64xf32>
    %dot_general3A_40 = arith.constant dense<0.000000e+00> : vector<128x64xf32>
    %dot_general3A_41 = tpu.matmul %convert_element_type3A_36, %get3A_39, %dot_general3A_40 {dimension_numbers = #tpu.dot_dimension_numbers<[1], [0], [0], [1], [0, 0, 1, 1], [], []>, transpose_lhs_hint = false} : vector<128x64xf32>, vector<64x64xf32>, vector<128x64xf32> -> vector<128x64xf32>
    %get3A_42 = arith.constant 0 : index
    %get3A_43 = arith.constant 0 : index
    %get3A_44 = vector.load %arg10[%get3A_42, %get3A_43] : memref<1x64xf32, #tpu.memory_space<vmem>>, vector<1x64xf32>
    %add3A_45 = vector.broadcast %get3A_44 : vector<1x64xf32> to vector<128x64xf32>
    %add3A_46 = arith.addf %dot_general3A_41, %add3A_45 : vector<128x64xf32>
    %broadcast_in_dim3A_47 = vector.shape_cast %add3A_46 : vector<128x64xf32> to vector<128x1x64xf32>
    %broadcast_in_dim3A_48 = vector.shape_cast %broadcast_in_dim3A_47 : vector<128x1x64xf32> to vector<128x1x64xf32>
    %broadcast_in_dim3A_49 = vector.broadcast %broadcast_in_dim3A_48 : vector<128x1x64xf32> to vector<128x56x64xf32>
    %reshape3A_50 = vector.shape_cast %broadcast_in_dim3A_49 : vector<128x56x64xf32> to vector<7168x64xf32>
    %get3A_51 = arith.constant 0 : index
    %get3A_52 = arith.constant 0 : index
    %get3A_53 = vector.load %arg8[%get3A_51, %get3A_52] : memref<64x64xf32, #tpu.memory_space<vmem>>, vector<64x64xf32>
    %dot_general3A_54 = arith.constant dense<0.000000e+00> : vector<7168x64xf32>
    %dot_general3A_55 = tpu.matmul %max3A_32, %get3A_53, %dot_general3A_54 {dimension_numbers = #tpu.dot_dimension_numbers<[1], [0], [0], [1], [0, 0, 1, 1], [], []>, transpose_lhs_hint = false} : vector<7168x64xf32>, vector<64x64xf32>, vector<7168x64xf32> -> vector<7168x64xf32>
    %add3A_56 = arith.addf %dot_general3A_55, %reshape3A_50 : vector<7168x64xf32>
    %max3A_57 = arith.constant 0.000000e+00 : f32
    %max3A_58 = vector.broadcast %max3A_57 : f32 to vector<7168x64xf32>
    %max3A_59 = arith.maximumf %add3A_56, %max3A_58 : vector<7168x64xf32>
    %get3A_60 = arith.constant 0 : index
    %get3A_61 = arith.constant 0 : index
    %get3A_62 = vector.load %arg11[%get3A_60, %get3A_61] : memref<64x64xf32, #tpu.memory_space<vmem>>, vector<64x64xf32>
    %dot_general3A_63 = arith.constant dense<0.000000e+00> : vector<7168x64xf32>
    %dot_general3A_64 = tpu.matmul %max3A_59, %get3A_62, %dot_general3A_63 {dimension_numbers = #tpu.dot_dimension_numbers<[1], [0], [0], [1], [0, 0, 1, 1], [], []>, transpose_lhs_hint = false} : vector<7168x64xf32>, vector<64x64xf32>, vector<7168x64xf32> -> vector<7168x64xf32>
    %get3A_65 = arith.constant 0 : index
    %get3A_66 = arith.constant 0 : index
    %get3A_67 = vector.load %arg12[%get3A_65, %get3A_66] : memref<1x64xf32, #tpu.memory_space<vmem>>, vector<1x64xf32>
    %add3A_68 = vector.broadcast %get3A_67 : vector<1x64xf32> to vector<7168x64xf32>
    %add3A_69 = arith.addf %dot_general3A_64, %add3A_68 : vector<7168x64xf32>
    %max3A_70 = arith.constant 0.000000e+00 : f32
    %max3A_71 = vector.broadcast %max3A_70 : f32 to vector<7168x64xf32>
    %max3A_72 = arith.maximumf %add3A_69, %max3A_71 : vector<7168x64xf32>
    %reshape3A_73 = vector.shape_cast %max3A_72 : vector<7168x64xf32> to vector<128x56x64xf32>
    %get3A_74 = arith.constant 0 : index
    %get3A_75 = arith.constant 0 : index
    %get3A_76 = vector.load %arg13[%get3A_74, %get3A_75] : memref<1x64xf32, #tpu.memory_space<vmem>>, vector<1x64xf32>
    %broadcast_in_dim3A_77 = vector.shape_cast %get3A_76 : vector<1x64xf32> to vector<1x1x64xf32>
    %mul3A = vector.broadcast %broadcast_in_dim3A_77 : vector<1x1x64xf32> to vector<128x56x64xf32>
    %mul3A_78 = arith.mulf %reshape3A_73, %mul3A : vector<128x56x64xf32>
    %reduce_sum3A = arith.constant dense<0.000000e+00> : vector<128x56xf32>
    %reduce_sum3A_79 = vector.multi_reduction <add>, %mul3A_78, %reduce_sum3A [2] : vector<128x56x64xf32> to vector<128x56xf32>
    %iota3A_80 = tpu.iota {dimensions = array<i32: 1>} : vector<128x56xi32>
    %lt3A = arith.constant 50 : i32
    %lt3A_81 = vector.broadcast %lt3A : i32 to vector<128x56xi32>
    %lt3A_82 = arith.cmpi slt, %iota3A_80, %lt3A_81 : vector<128x56xi32>
    %jit3A = arith.constant 0xFF800000 : f32
    %broadcast_in_dim3A_83 = vector.broadcast %jit3A : f32 to vector<128x56xf32>
    %select_n3A = arith.select %lt3A_82, %reduce_sum3A_79, %broadcast_in_dim3A_83 : vector<128x56xi1>, vector<128x56xf32>
    %reduce_max3A = arith.constant dense<0xFF800000> : vector<128xf32>
    %reduce_max3A_84 = vector.multi_reduction <maximumf>, %select_n3A, %reduce_max3A [1] : vector<128x56xf32> to vector<128xf32>
    %broadcast_in_dim3A_85 = vector.shape_cast %reduce_max3A_84 : vector<128xf32> to vector<128x1xf32>
    %sub3A = vector.broadcast %broadcast_in_dim3A_85 : vector<128x1xf32> to vector<128x56xf32>
    %sub3A_86 = arith.subf %select_n3A, %sub3A : vector<128x56xf32>
    %exp3A = math.exp %sub3A_86 : vector<128x56xf32>
    %reduce_sum3A_87 = arith.constant dense<0.000000e+00> : vector<128xf32>
    %reduce_sum3A_88 = vector.multi_reduction <add>, %exp3A, %reduce_sum3A_87 [1] : vector<128x56xf32> to vector<128xf32>
    %broadcast_in_dim3A_89 = vector.shape_cast %reduce_sum3A_88 : vector<128xf32> to vector<128x1xf32>
    %div3A = vector.broadcast %broadcast_in_dim3A_89 : vector<128x1xf32> to vector<128x56xf32>
    %div3A_90 = arith.divf %exp3A, %div3A : vector<128x56xf32>
    %reshape3A_91 = vector.shape_cast %max3A_32 : vector<7168x64xf32> to vector<128x56x64xf32>
    %broadcast_in_dim3A_92 = vector.shape_cast %div3A_90 : vector<128x56xf32> to vector<128x56x1xf32>
    %mul3A_93 = vector.broadcast %broadcast_in_dim3A_92 : vector<128x56x1xf32> to vector<128x56x64xf32>
    %mul3A_94 = arith.mulf %reshape3A_91, %mul3A_93 : vector<128x56x64xf32>
    %reduce_sum3A_95 = arith.constant dense<0.000000e+00> : vector<128x64xf32>
    %reduce_sum3A_96 = vector.multi_reduction <add>, %mul3A_94, %reduce_sum3A_95 [1] : vector<128x56x64xf32> to vector<128x64xf32>
    %swap3A = arith.constant 0 : index
    %swap3A_97 = arith.constant 0 : index
    %swap3A_98 = vector.load %arg14[%swap3A, %swap3A_97] : memref<128x64xf32, #tpu.memory_space<vmem>>, vector<128x64xf32>
    tpu.vector_store %arg14[%swap3A, %swap3A_97], %reduce_sum3A_96 {strides = array<i32>} : memref<128x64xf32, #tpu.memory_space<vmem>>, vector<128x64xf32>,
    return
  }
  func.func @transform_0(%arg0: i32) -> (i32, i32) {
    %c0_i32 = arith.constant 0 : i32
    %c0_i32_0 = arith.constant 0 : i32
    return %arg0, %c0_i32 : i32, i32
  }
  func.func @transform_1(%arg0: i32) -> (i32, i32) {
    %c0_i32 = arith.constant 0 : i32
    %c0_i32_0 = arith.constant 0 : i32
    return %arg0, %c0_i32 : i32, i32
  }
  func.func @transform_2(%arg0: i32) -> (i32, i32) {
    %c0_i32 = arith.constant 0 : i32
    %c0_i32_0 = arith.constant 0 : i32
    return %arg0, %c0_i32 : i32, i32
  }
  func.func @transform_3(%arg0: i32) -> (i32, i32) {
    %c0_i32 = arith.constant 0 : i32
    %c0_i32_0 = arith.constant 0 : i32
    %c0_i32_1 = arith.constant 0 : i32
    return %c0_i32, %c0_i32_0 : i32, i32
  }
  func.func @transform_4(%arg0: i32) -> (i32, i32) {
    %c0_i32 = arith.constant 0 : i32
    %c0_i32_0 = arith.constant 0 : i32
    %c0_i32_1 = arith.constant 0 : i32
    return %c0_i32, %c0_i32_0 : i32, i32
  }
  func.func @transform_5(%arg0: i32) -> (i32, i32) {
    %c0_i32 = arith.constant 0 : i32
    %c0_i32_0 = arith.constant 0 : i32
    %c0_i32_1 = arith.constant 0 : i32
    return %c0_i32, %c0_i32_0 : i32, i32
  }
  func.func @transform_6(%arg0: i32) -> (i32, i32) {
    %c0_i32 = arith.constant 0 : i32
    %c0_i32_0 = arith.constant 0 : i32
    %c0_i32_1 = arith.constant 0 : i32
    return %c0_i32, %c0_i32_0 : i32, i32
  }
  func.func @transform_7(%arg0: i32) -> (i32, i32) {
    %c0_i32 = arith.constant 0 : i32
    %c0_i32_0 = arith.constant 0 : i32
    %c0_i32_1 = arith.constant 0 : i32
    return %c0_i32, %c0_i32_0 : i32, i32
  }
  func.func @transform_8(%arg0: i32) -> (i32, i32) {
    %c0_i32 = arith.constant 0 : i32
    %c0_i32_0 = arith.constant 0 : i32
    %c0_i32_1 = arith.constant 0 : i32
    return %c0_i32, %c0_i32_0 : i32, i32
  }
  func.func @transform_9(%arg0: i32) -> (i32, i32) {
    %c0_i32 = arith.constant 0 : i32
    %c0_i32_0 = arith.constant 0 : i32
    %c0_i32_1 = arith.constant 0 : i32
    return %c0_i32, %c0_i32_0 : i32, i32
  }
  func.func @transform_10(%arg0: i32) -> (i32, i32) {
    %c0_i32 = arith.constant 0 : i32
    %c0_i32_0 = arith.constant 0 : i32
    %c0_i32_1 = arith.constant 0 : i32
    return %c0_i32, %c0_i32_0 : i32, i32
  }
  func.func @transform_11(%arg0: i32) -> (i32, i32) {
    %c0_i32 = arith.constant 0 : i32
    %c0_i32_0 = arith.constant 0 : i32
    %c0_i32_1 = arith.constant 0 : i32
    return %c0_i32, %c0_i32_0 : i32, i32
  }
  func.func @transform_12(%arg0: i32) -> (i32, i32) {
    %c0_i32 = arith.constant 0 : i32
    %c0_i32_0 = arith.constant 0 : i32
    %c0_i32_1 = arith.constant 0 : i32
    return %c0_i32, %c0_i32_0 : i32, i32
  }
  func.func @transform_13(%arg0: i32) -> (i32, i32) {
    %c0_i32 = arith.constant 0 : i32
    %c0_i32_0 = arith.constant 0 : i32
    return %arg0, %c0_i32 : i32, i32
  }
}

</mosaic_0001>

<sc_bundles>
// kernel: kernel.4.cloned.1.call-start
scs
__scs_entry_jumppad:
0x0: {  	(pc) =	sbr.rel $0x88, $3  }
0x1: {  	(tag) =	ssettag $0x0;
	lr =	simm.s32 $0x1  }
0x2: {  	[smem:$0x3F92] =	sst lr;
	_ =	strace $0xD0000000  }
0x3: {  	_ = 	snop  }
0x4: {  	_ = 	snop  }
0x5: {  	_ = 	snop  }
0x6: {  	_ = 	snop  }
0x7: {  	_ = 	snop  }
__scs_overlays_trampoline_lowered:
0x8: {  	[smem:$0x3FA1] =	sst s0  }
0x9: {  	[smem:$0x3FA2] =	sst s1  }
0xa: {  	[smem:$0x3FA3] =	sst s2  }
0xb: {  	[smem:$0x3FA4] =	sst s3  }
0xc: {  	[smem:$0x3FA5] =	sst s4  }
0xd: {  	[smem:$0x3FA6] =	sst s5  }
0xe: {  	[smem:$0x3FA7] =	sst s6  }
0xf: {  	[smem:$0x3FA8] =	sst s7  }
0x10: {  	[smem:$0x3FA9] =	sst s8  }
0x11: {  	[smem:$0x3FAA] =	sst s9;
	s0 =	simm.s32 @!p0 $0x0  }
0x12: {  	s1 =	sld [smem:$0x3F90];
	s0 =	simm.s32 @p0 $0x1  }
0x13: {  	[smem:$0x3FAB] =	sst s0;
	s0 =	simm.s32 @!p1 $0x0  }
0x14: {  	s2 =	sld [smem:$0x3F8F];
	s0 =	simm.s32 @p1 $0x1  }
0x15: {  	[smem:$0x3FAC] =	sst s0;
	s0 =	simm.s32 @!p2 $0x0  }
0x16: {  	s3 =	sld [smem:$0x3FDB];
	s0 =	simm.s32 @p2 $0x1  }
0x17: {  	s4 =	simm.s32 $0x1BF5;
	[smem:$0x3FAE] =	sst s0  }
0x18: {  	s0 =	sld [smem:$0x3F91];
	_ =	swait.ge [sflag:s4], $0x0  }
0x19: {  	s7 =	sld [smem:$0x3F92]  }
0x1a: {  	s8 =	sadd.s32 $0xFFFFE003, lr  }
0x1b: {  	s9 =	sadd.s32 $0xFFFFFEF7, lr;
	s5 =	simm.s32 $0xFFFFFFFF;
	p2 =	slt.u32 s8, $0xFFFFF086  }
0x1c: {  	p1 =	slt.u32 s9, $0xF7A;
	s5 =	simm.s32 @!p2 $0x0  }
0x1d: {  	s5 =	simm.s32 @p1 $0x1;
	p0 =	seq.s32 s7, s2  }
0x1e: {  	s7 =	smul.u32 @!p0 $0xF7A, s2;
	p2 =	seq.s32 @!p0 s5, $0x0  }
0x1f: {  	s9 =	smul.u32 $0xF7A, s1;
	s8 =	simm.s32 @!p0 $0x1BF5;
	p2 =	por !p2, p0  }
0x20: {  	[sflag:s8] =	ssyncset.s32 @!p0 $0xFFFFF086;
	s6 =	sadd.s32 @!p0 s3, s7;
	s7 =	simm.s32 @!p0 $0x108  }
0x21: {  	s3 =	sadd.s32 s3, s9;
	s6 =	sadd.s32 @!p0 $0x88, s6;
	s7 =	simm.s32 @p2 $0x1082  }
0x22: {  	[simem:s7], [sflag:s8] =	dma.local @!p0 [hbm:s6], $0xF7A  }
0x23: {  	s9 =	sor.u32 $0xD0000000, s2;
	s6 =	simm.s32 $0x108;
	_ =	swait.ge @!p0 [sflag:s8], $0x0  }
0x24: {  	s3 =	sadd.s32 $0x88, s3;
	s6 =	simm.s32 @!p1 $0x1082;
	[sflag:s4] =	ssyncset.s32 $0xFFFFF086  }
0x25: {  	[simem:s6], [sflag:s4] =	dma.local [hbm:s3], $0xF7A  }
0x26: {  	[smem:$0x3F92] =	sst s1;
	(tag) =	ssettag s2;
	_ =	strace s9  }
0x27: {  	s1 =	sld [smem:$0x3FA2]  }
0x28: {  	s2 =	sld [smem:$0x3FA3]  }
0x29: {  	s4 =	sld [smem:$0x3FA5]  }
0x2a: {  	p0 =	seq.s32 s5, $0x0;
	s5 =	sld [smem:$0x3FA6]  }
0x2b: {  	s6 =	sld [smem:$0x3FA7]  }
0x2c: {  	s7 =	sld [smem:$0x3FA8]  }
0x2d: {  	s3 =	simm.s32 $0x108;
	s8 =	sld [smem:$0x3FA9]  }
0x2e: {  	s3 =	simm.s32 @!p0 $0x1082;
	s9 =	sld [smem:$0x3FAA]  }
0x2f: {  	lr =	sadd.s32 s0, s3;
	s0 =	sld [smem:$0x3FA1]  }
0x30: {  	s3 =	sld [smem:$0x3FA4]  }
0x31: {  	[smem:$0x3FAD] =	sst s10  }
0x32: {  	s10 =	sld [smem:$0x3FAB];
	_ =	sdelay $0x3  }
0x33: {  	p0 =	seq.s32 s10, $0x1;
	s10 =	sld [smem:$0x3FAD];
	_ =	sdelay $0x3  }
0x34: {  	[smem:$0x3FAD] =	sst s10  }
0x35: {  	s10 =	sld [smem:$0x3FAC];
	_ =	sdelay $0x3  }
0x36: {  	p1 =	seq.s32 s10, $0x1;
	s10 =	sld [smem:$0x3FAD];
	_ =	sdelay $0x3  }
0x37: {  	[smem:$0x3FAD] =	sst s10  }
0x38: {  	s10 =	sld [smem:$0x3FAE]  }
0x39: {  	_ = 	snop;
	(pc) =	sbr.ind lr, $3  }
0x3a: {  	_ = 	snop  }
0x3b: {  	_ = 	snop  }
0x3c: {  	p2 =	seq.s32 s10, $0x1;
	s10 =	sld [smem:$0x3FAD]  }
0x3d: {  	_ =	shalt  }
0x3e: {  	_ =	shalt  }
0x3f: {  	_ =	shalt  }
0x40: {  	_ =	shalt  }
0x41: {  	_ =	shalt  }
0x42: {  	_ =	shalt  }
0x43: {  	_ =	shalt  }
0x44: {  	_ =	shalt  }
0x45: {  	_ =	shalt  }
0x46: {  	_ =	shalt  }
0x47: {  	_ =	shalt  }
0x48: {  	_ =	shalt  }
0x49: {  	_ =	shalt  }
0x4a: {  	_ =	shalt  }
0x4b: {  	_ =	shalt  }
0x4c: {  	_ =	shalt  }
0x4d: {  	_ =	shalt  }
0x4e: {  	_ =	shalt  }
0x4f: {  	_ =	shalt  }
0x50: {  	_ =	shalt  }
0x51: {  	_ =	shalt  }
0x52: {  	_ =	shalt  }
0x53: {  	_ =	shalt  }
0x54: {  	_ =	shalt  }
0x55: {  	_ =	shalt  }
0x56: {  	_ =	shalt  }
0x57: {  	_ =	shalt  }
0x58: {  	_ =	shalt  }
0x59: {  	_ =	shalt  }
0x5a: {  	_ =	shalt  }
0x5b: {  	_ =	shalt  }
0x5c: {  	_ =	shalt  }
0x5d: {  	_ =	shalt  }
0x5e: {  	_ =	shalt  }
0x5f: {  	_ =	shalt  }
0x60: {  	_ =	shalt  }
0x61: {  	_ =	shalt  }
0x62: {  	_ =	shalt  }
0x63: {  	_ =	shalt  }
0x64: {  	_ =	shalt  }
0x65: {  	_ =	shalt  }
0x66: {  	_ =	shalt  }
0x67: {  	_ =	shalt  }
0x68: {  	_ =	shalt  }
0x69: {  	_ =	shalt  }
0x6a: {  	_ =	shalt  }
0x6b: {  	_ =	shalt  }
0x6c: {  	_ =	shalt  }
0x6d: {  	_ =	shalt  }
0x6e: {  	_ =	shalt  }
0x6f: {  	_ =	shalt  }
0x70: {  	_ =	shalt  }
0x71: {  	_ =	shalt  }
0x72: {  	_ =	shalt  }
0x73: {  	_ =	shalt  }
0x74: {  	_ =	shalt  }
0x75: {  	_ =	shalt  }
0x76: {  	_ =	shalt  }
0x77: {  	_ =	shalt  }
0x78: {  	_ =	shalt  }
0x79: {  	_ =	shalt  }
0x7a: {  	_ =	shalt  }
0x7b: {  	_ =	shalt  }
0x7c: {  	_ =	shalt  }
0x7d: {  	_ =	shalt  }
0x7e: {  	_ =	shalt  }
0x7f: {  	_ =	shalt  }
0x80: {  	_ =	shalt  }
0x81: {  	_ =	shalt  }
0x82: {  	_ =	shalt  }
0x83: {  	_ =	shalt  }
0x84: {  	_ =	shalt  }
0x85: {  	_ =	shalt  }
0x86: {  	_ =	shalt  }
0x87: {  	_ =	shalt  }
.Lfunc_end0:
.L_simem_size_0:
called_computation_lowered:
.L_overlay_start_0:
0x88: {  	s2 =	sld [smem:$0x3FD9]  }
0x89: {  	s3 =	sld [smem:$0x3FFE];
	_ =	sdelay $0x1  }
0x8a: {  	s1 =	srdreg.scid  }
0x8b: {  	s0 =	sand.u32 $0x1, s1  }
0x8c: {  	s17 =	sshll.u32 s0, $0xA;
	s2 =	sadd.s32 s3, s2  }
0x8d: {  	s2 =	sadd.s32 s2, s17  }
0x8e: {  	[smem:$0x3FB9] =	sst s2  }
0x8f: {  	_ = 	snop  }
0x90: {  	s2 =	sld [smem:$0x3FC9]  }
0x91: {  	s18 =	sld [smem:$0x3FD0];
	(tm) =	ssettm $0x1  }
0x92: {  	s4 =	sld [smem:$0x3FFB];
	_ =	sdelay $0x3  }
0x93: {  	_ =	strace s4  }
0x94: {  	s4 =	sld [smem:$0x3FFC];
	_ =	sdelay $0x3  }
0x95: {  	_ =	strace s4  }
0x96: {  	s4 =	sld [smem:$0x3FFD];
	_ =	sdelay $0x3  }
0x97: {  	_ =	strace s4  }
0x98: {  	_ =	strace $0x8FFFFFFF  }
0x99: {  	s19 =	sld [smem:$0x3FDB];
	_ =	sdelay $0x1  }
0x9a: {  	s5 =	simm.s32 $_scs_section_size  }
0x9b: {  	s6 =	simm.s32 $_size__tile_overlayer_lowered;
	s7 =	simm.s32 $_tile_overlayer_lowered  }
0x9c: {  	s22 =	simm.s32 $0x1BFF;
	s21 =	sshll.u32 s7, $0x1;
	s4 =	sadd.s32 s5, s19  }
0x9d: {  	s8 =	simm.s32 $0x0;
	s20 =	sshll.u32 s6, $0x1;
	s6 =	sadd.s32 s21, s4  }
0x9e: {  	[timem:s8], [sflag:s22] =	dma.local [hbm:s6], s20  }
0x9f: {  	_ =	swait.ge [sflag:s22], s20  }
0xa0: {  	s5 =	ssub.s32 $0x0, s20;
	[sflag:s22] =	ssyncset.done $0x0  }
0xa1: {  	[sflag:s22] =	ssyncadd.s32 s5;
	_ =	sdelay $0x1  }
0xa2: {  	s23 =	simm.s32 $0x1B8B  }
0xa3: {  	_ =	swait.ge [sflag:s23], $0x1  }
0xa4: {  	[sflag:s23] =	ssyncset.done $0x0  }
0xa5: {  	s25 =	simm.s32 $0x1B8E;
	s24 =	sld [smem:$0x3FFE];
	[sflag:s23] =	ssyncadd.s32 $0xFFFFFFFF  }
0xa6: {  	s26 =	simm.s32 $execute0_lowered;
	[smem:$0x3FD2] =	sst s25  }
0xa7: {  	s6 =	sshll.u32 s26, $0x1;
	_ =	strace $0x80000046;
	[dreg:$0x1] =	wrdreg $0xFFFFFFFF  }
0xa8: {  	s28 =	simm.s32 $_size_execute0_lowered;
	s4 =	sadd.s32 s4, s6;
	[dreg:$0x0] =	wrdreg $0x0  }
0xa9: {  	s6 =	sshll.u32 s28, $0x1;
	[dreg:$0x2] =	wrdreg s4  }
0xaa: {  	[dreg:$0x3] =	wrdreg s6  }
0xab: {  	[dreg:$0x4] =	wrdreg $0xC0  }
0xac: {  	_ =	task [dreg:s8], $0x5FFFF  }
0xad: {  	[dreg:$0x1] =	wrdreg $0xFFFFFFFF  }
0xae: {  	[dreg:$0x0] =	wrdreg $0x60  }
0xaf: {  	[dreg:$0x2] =	wrdreg s24  }
0xb0: {  	[dreg:$0x3] =	wrdreg s18  }
0xb1: {  	[dreg:$0x4] =	wrdreg s2  }
0xb2: {  	[dreg:$0x5] =	wrdreg $0x9  }
0xb3: {  	_ =	task.clear_ibuf [dreg:s8], $0x6FFFF;
	_ =	strace $0x90000046  }
0xb4: {  	s29 =	simm.s32 $0x9;
	_ =	strace $0x80000048  }
0xb5: {  	_ =	swait.ge [sflag:s29], $0x1  }
0xb6: {  	[sflag:s29] =	ssyncadd.s32 $0xFFFFFFFF  }
0xb7: {  	_ =	strace $0x90000048  }
0xb8: {  	_ =	sfence  }
0xb9: {  	s30 =	sld [smem:$0x0];
	_ =	sdelay $0x2  }
0xba: {  	s31 =	sshll.u32 s1, $0xD;
	s1 =	sshrl.u32 s1, $0x2  }
0xbb: {  	s3 =	sand.u32 $0x4000, s31;
	s1 =	sadd.s32 s1, s30  }
0xbc: {  	s0 =	sor.u32 s3, s0;
	s1 =	sshll.u32 s1, $0x11  }
0xbd: {  	s0 =	sor.u32 s1, s0  }
0xbe: {  	s0 =	sadd.s32 $0x8F2B, s0  }
0xbf: {  	[sflag:s0] =	ssyncadd.remote.s32 $0x1  }
0xc0: {  	_ =	sfence.sel $0xFFFF  }
0xc1: {  	[dreg:$0x0] =	wrdreg $0xFFFFFFFF;
	(pc) =	sbr.abs _section_cstart, $3  }
0xc2: {  	[dreg:$0x1] =	wrdreg $0xFFFFFFFF  }
0xc3: {  	_ =	task.clear_ibuf [dreg:s8], $0x2FFFF;
	_ =	strace $0x9FFFFFFF  }
0xc4: {  	(tm) =	ssettm $0x7FFFFFFF  }
0xc5: {  	_ =	shalt  }
tec
execute0_lowered:
.L_overlay_start_1:
0x0: {  	(tag) =	ssettag $0x1  }
0x1: {  	s15 =	rddreg [dreg:$0x0]  }
0x2: {  	s1 =	srdreg.scid;
	s0 =	stileid.u32  }
0x3: {  	s3 =	rddreg [dreg:$0x1];
	s14 =	sand.u32 $0x1, s1;
	s30 =	sshll.u32 s0, $0x1  }
0x4: {  	s5 =	rddreg [dreg:$0x2];
	s16 =	sor.u32 s14, s30  }
0x5: {  	s2 =	simm.s32 $0x0;
	s1 =	rddreg [dreg:$0x3];
	s4 =	smul.u32 $0xE0, s16  }
0x6: {  	[smem:$0x7FF] =	sst s2  }
0x7: {  	_ =	strace $0x80000047;
	s4 =	sadd.s32 s3, s4;
	s3 =	simm.s32 $0x3  }
0x8: {  	[tilespmem:s2], [sflag:$0x3] =	stream.linear.gather [hbm4b:s4+s2], $0x700, $0x38;
	[tilespmem:$0xEB20] =	vst v63  }
0x9: {  	_ =	swait.ge [sflag:s3], $0x700  }
0xa: {  	s6 =	sshll.u32 s16, $0x2;
	[sflag:s3] =	ssyncset.done $0x0  }
0xb: {  	s5 =	sadd.s32 s5, s6;
	s6 =	simm.s32 $0xE700;
	[sflag:s3] =	ssyncadd.s32 $0xFFFFF900  }
0xc: {  	[tilespmem:s6], [sflag:$0x3] =	stream.linear.gather [hbm4b:s5+s2], $0x20, $0x38;
	[tilespmem:$0xEB20] =	vst v63  }
0xd: {  	_ =	swait.ge [sflag:s3], $0x20  }
0xe: {  	s9 =	simm.s32 $0x700;
	s10 =	simm.s32 $0x20;
	[sflag:s3] =	ssyncset.done $0x0  }
0xf: {  	s11 =	simm.s32 $0xE720;
	s7 =	sadd.s32 $0x4000, s15;
	[sflag:s3] =	ssyncadd.s32 $0xFFFFFFE0  }
0x10: {  	[tilespmem:s9], [sflag:$0x1] =	stream.indirect.gather [hbm4b:s7+s9], $0x20, s2, s9, $0xb8;
	[tilespmem:$0xEB20] =	vst v63  }
0x11: {  	s12 =	simm.s32 $0x1;
	s8 =	sadd.s32 $0x65C00, s15;
	s13 =	smul.u32 $0x1C00, s16  }
0x12: {  	[tilespmem:s11], [sflag:$0x2] =	stream.indirect.gather [hbm4b:s8+s10], $0x20, s6, s10, $0xb8;
	[tilespmem:$0xEB20] =	vst v63  }
0x13: {  	_ =	swait.ge [sflag:s12], $0xE000  }
0x14: {  	s13 =	sadd.s32 s13, s15;
	[sflag:s12] =	ssyncset.done $0x0  }
0x15: {  	s17 =	ssub.s32 $0x2, s14;
	s13 =	sadd.s32 $0xC7800, s13;
	[sflag:s12] =	ssyncadd.s32 $0xFFFF2000  }
0x16: {  	[hbm4b:s13+s2] =	stream.linear.scatter [tilespmem:s9], [sflag:$0x3], $0xE000, $0x38;
	[tilespmem:$0xEB20] =	vst v63  }
0x17: {  	s14 =	simm.s32 $0x2;
	s18 =	sshrl.u32 s17, $0x1;
	_ =	swait.ge [sflag:s3], $0xE000  }
0x18: {  	s16 =	sshll.u32 s16, $0x7;
	s31 =	ssub.s32 s17, s18;
	[sflag:s3] =	ssyncset.done $0x0  }
0x19: {  	s15 =	sadd.s32 s16, s15;
	s16 =	smax.u32 s31, $0x1;
	[sflag:s3] =	ssyncadd.s32 $0xFFFF2000  }
0x1a: {  	p0 =	sne.s32 s16, $0x1;
	_ =	swait.ge [sflag:s14], $0x400  }
.Ltmp0:
0x1b: {  	[sflag:s14] =	ssyncset.done $0x0;
	(pc) =	sbr.rel @!p0 .LBB2_2-.Ltmp0, $4  }
0x1c: {  	s15 =	sadd.s32 $0xFF800, s15;
	[sflag:s14] =	ssyncadd.s32 $0xFFFFFC00  }
0x1d: {  	[hbm4b:s15+s2] =	stream.linear.scatter [tilespmem:s11], [sflag:$0x3], $0x400, $0x38;
	[tilespmem:$0xEB20] =	vst v63  }
0x1e: {  	_ =	swait.ge [sflag:s3], $0x400  }
0x1f: {  	s16 =	sadd.s32 $0xFFFFFFFF, s16;
	[sflag:s3] =	ssyncset.done $0x0  }
.LBB2_1:
0x20: {  	p0 =	sne.s32 s16, $0x1;
	s16 =	sadd.s32 $0xFFFFFFFF, s16;
	[sflag:s3] =	ssyncadd.s32 $0xFFFFFC00  }
0x21: {  	[tilespmem:s2], [sflag:$0x3] =	stream.linear.gather [hbm4b:s4+s2], $0x700, $0x38;
	[tilespmem:$0xEB20] =	vst v63  }
0x22: {  	_ =	swait.ge [sflag:s3], $0x700  }
0x23: {  	[sflag:s3] =	ssyncset.done $0x0  }
0x24: {  	[sflag:s3] =	ssyncadd.s32 $0xFFFFF900  }
0x25: {  	[tilespmem:s6], [sflag:$0x3] =	stream.linear.gather [hbm4b:s5+s2], $0x20, $0x38;
	[tilespmem:$0xEB20] =	vst v63  }
0x26: {  	_ =	swait.ge [sflag:s3], $0x20  }
0x27: {  	[sflag:s3] =	ssyncset.done $0x0  }
0x28: {  	[sflag:s3] =	ssyncadd.s32 $0xFFFFFFE0  }
0x29: {  	[tilespmem:s9], [sflag:$0x1] =	stream.indirect.gather [hbm4b:s7+s9], $0x20, s2, s9, $0xb8;
	[tilespmem:$0xEB20] =	vst v63  }
0x2a: {  	_ = 	snop  }
0x2b: {  	[tilespmem:s11], [sflag:$0x2] =	stream.indirect.gather [hbm4b:s8+s10], $0x20, s6, s10, $0xb8;
	[tilespmem:$0xEB20] =	vst v63  }
0x2c: {  	_ =	swait.ge [sflag:s12], $0xE000  }
0x2d: {  	[sflag:s12] =	ssyncset.done $0x0  }
0x2e: {  	[sflag:s12] =	ssyncadd.s32 $0xFFFF2000  }
0x2f: {  	[hbm4b:s13+s2] =	stream.linear.scatter [tilespmem:s9], [sflag:$0x3], $0xE000, $0x38;
	[tilespmem:$0xEB20] =	vst v63  }
0x30: {  	_ =	swait.ge [sflag:s3], $0xE000  }
0x31: {  	[sflag:s3] =	ssyncset.done $0x0  }
0x32: {  	[sflag:s3] =	ssyncadd.s32 $0xFFFF2000  }
0x33: {  	_ =	swait.ge [sflag:s14], $0x400  }
.Ltmp1:
0x34: {  	[sflag:s14] =	ssyncset.done $0x0;
	(pc) =	sbr.rel @p0 .LBB2_1-.Ltmp1, $4  }
0x35: {  	[sflag:s14] =	ssyncadd.s32 $0xFFFFFC00  }
0x36: {  	[hbm4b:s15+s2] =	stream.linear.scatter [tilespmem:s11], [sflag:$0x3], $0x400, $0x38;
	[tilespmem:$0xEB20] =	vst v63  }
0x37: {  	_ =	swait.ge [sflag:s3], $0x400  }
0x38: {  	[sflag:s3] =	ssyncset.done $0x0  }
.LBB2_2:
0x39: {  	[sflag:s3] =	ssyncadd.s32 $0xFFFFFC00  }
0x3a: {  	_ =	sfence.sel $0x180000  }
0x3b: {  	[bflag:$0x0] =	sbarrier.arrive $0xFFFF  }
0x3c: {  	p0 =	sne.s32 s0, $0x0;
	_ =	strace $0x90000047  }
0x3d: {  	s0 =	sadd.s32 @!p0 $0x100000, s1;
	[bflag:$0x2] =	sbarrier.arrive $0xFFFF  }
0x3e: {  	[sflag:s0] =	ssyncadd.tile.s32 @!p0 $0x1;
	_ =	shalt  }
.Lfunc_end2:
_tile_overlayer_lowered:
.L_overlay_start_2:
0x3f: {  	(tag) =	ssettag $0x2  }
0x40: {  	s0 =	rddreg [dreg:$0x0];
	s2 =	stileid.u32  }
0x41: {  	s1 =	rddreg [dreg:$0x1];
	p0 =	sne.s32 s2, $0x0  }
0x42: {  	s3 =	rddreg [dreg:$0x2];
	[bflag:$0x3] =	sbarrier.arrive $0xFFFF;
	s2 =	simm.s32 @!p0 $0x1C03  }
0x43: {  	[timem:s3], [sflag:s2] =	dma.local @!p0 [hbm:s0], s1  }
0x44: {  	s0 =	simm.s32 @!p0 $0x3  }
0x45: {  	_ =	swait.ge @!p0 [sflag:s0], s1  }
0x46: {  	s1 =	ssub.s32 @!p0 $0x0, s1;
	[sflag:s0] =	ssyncset.done @!p0 $0x0  }
0x47: {  	[sflag:s0] =	ssyncadd.s32 @!p0 s1  }
0x48: {  	[bflag:$0x3] =	sbarrier.arrive $0xFFFF  }
0x49: {  	_ =	shalt  }

</sc_bundles>
